<compile_context>
chip_gen: v7x
topology: tpu7x:2x2x1
jax: 0.10.2.dev20260603
libtpu: 0.0.44.dev20260713+nightly
codegen_flags: <defaults>
</compile_context>

<pallas_src>
import functools

import jax
import jax.numpy as jnp
from jax import lax
from jax.experimental import pallas as pl
from jax.experimental.pallas import tpu as pltpu
from jax.experimental.pallas import tpu_sc as plsc

_VOCAB = 100000
_EMBED = 128
_OUT = 2
_SEQ = 200
_BATCH = 4096

_NTILES = 32
_BPT = _BATCH // _NTILES
_SEQ1 = 104
_SEQ2 = _SEQ - _SEQ1
_PSPLIT = 73472


def _project_pack(table, w):
    vb = 20480
    grid = (pl.cdiv(_VOCAB, vb),)

    def body(tab_ref, w_ref, out_ref):
        wb = (w_ref[...] * (1.0 / _SEQ)).astype(jnp.bfloat16)
        tb = tab_ref[...].astype(jnp.bfloat16)
        res = lax.dot_general(
            wb, tb,
            dimension_numbers=(((1,), (1,)), ((), ())),
            preferred_element_type=jnp.float32,
        )
        u = lax.bitcast_convert_type(res, jnp.uint32)
        packed = (u[0] >> 16) | (u[1] & jnp.uint32(0xFFFF0000))
        out_ref[...] = lax.bitcast_convert_type(packed, jnp.int32)

    return pl.pallas_call(
        body,
        grid=grid,
        in_specs=[
            pl.BlockSpec((vb, _EMBED), lambda j: (j, 0)),
            pl.BlockSpec((_OUT, _EMBED), lambda j: (0, 0)),
        ],
        out_specs=pl.BlockSpec((vb,), lambda j: (j,)),
        out_shape=jax.ShapeDtypeStruct((_VOCAB,), jnp.int32),
    )(table, w)


def _sc_pool(packed, text_i32):
    mesh = plsc.VectorSubcoreMesh(core_axis_name="c", subcore_axis_name="s")

    @functools.partial(
        pl.kernel,
        mesh=mesh,
        compiler_params=pltpu.CompilerParams(needs_layout_passes=False),
        out_type=[
            jax.ShapeDtypeStruct((_BATCH,), jnp.float32),
            jax.ShapeDtypeStruct((_BATCH,), jnp.float32),
        ],
        scratch_types=[
            pltpu.VMEM((_VOCAB,), jnp.int32),
            pltpu.VMEM((_SEQ1, _BPT), jnp.int32),
            pltpu.VMEM((_BPT,), jnp.float32),
            pltpu.VMEM((_BPT,), jnp.float32),
            pltpu.VMEM_SHARED((_PSPLIT,), jnp.int32),
            pltpu.SemaphoreType.DMA,
            pltpu.SemaphoreType.DMA,
            pltpu.SemaphoreType.DMA,
        ],
    )
    def k(p_hbm, t_hbm, out0_hbm, out1_hbm, p_v, t_v, o0_v, o1_v, p_sh,
          sem_p, sem_t, sem_p2):
        c = lax.axis_index("c")
        s = lax.axis_index("s")
        wid = s * 2 + c
        base = pl.multiple_of(wid * _BPT, _BPT)

        ct = pltpu.make_async_copy(
            t_hbm.at[pl.ds(0, _SEQ1), pl.ds(base, _BPT)], t_v, sem_t)
        ct.start()

        cp2 = pltpu.make_async_copy(
            p_hbm.at[pl.ds(_PSPLIT, _VOCAB - _PSPLIT)],
            p_v.at[pl.ds(_PSPLIT, _VOCAB - _PSPLIT)], sem_p2)
        cp2.start()

        @pl.when(s == 0)
        def _():
            pltpu.sync_copy(p_hbm.at[pl.ds(0, _PSPLIT)], p_sh)

        plsc.subcore_barrier()
        cp = pltpu.make_async_copy(p_sh, p_v.at[pl.ds(0, _PSPLIT)], sem_p)
        cp.start()
        cp.wait()
        cp2.wait()
        ct.wait()

        zero = jnp.zeros((16,), jnp.float32)
        himask = jnp.full((16,), -65536, jnp.int32)

        def make_body(g):
            def body(i, accs):
                a0, a1 = accs
                idx = t_v[i, pl.ds(g * 16, 16)]
                word = plsc.load_gather(p_v, [idx])
                a0 = a0 + plsc.bitcast(word << 16, jnp.float32)
                a1 = a1 + plsc.bitcast(word & himask, jnp.float32)
                return (a0, a1)
            return body

        def gloop1(g, carry):
            a0, a1 = plsc.parallel_loop(0, _SEQ1, unroll=8,
                                        carry=(zero, zero))(make_body(g))
            o0_v[pl.ds(g * 16, 16)] = a0
            o1_v[pl.ds(g * 16, 16)] = a1
            return carry

        lax.fori_loop(0, _BPT // 16, gloop1, 0)

        ct2 = pltpu.make_async_copy(
            t_hbm.at[pl.ds(_SEQ1, _SEQ2), pl.ds(base, _BPT)],
            t_v.at[pl.ds(0, _SEQ2)], sem_t)
        ct2.start()
        ct2.wait()

        def gloop2(g, carry):
            a0, a1 = plsc.parallel_loop(0, _SEQ2, unroll=8,
                                        carry=(zero, zero))(make_body(g))
            o0_v[pl.ds(g * 16, 16)] = o0_v[pl.ds(g * 16, 16)] + a0
            o1_v[pl.ds(g * 16, 16)] = o1_v[pl.ds(g * 16, 16)] + a1
            return carry

        lax.fori_loop(0, _BPT // 16, gloop2, 0)

        pltpu.sync_copy(o0_v, out0_hbm.at[pl.ds(base, _BPT)])
        pltpu.sync_copy(o1_v, out1_hbm.at[pl.ds(base, _BPT)])

    return k(packed, text_i32)


def kernel(text, table, W, b):
    packed = _project_pack(table, W.astype(jnp.float32))
    out0, out1 = _sc_pool(packed, text.astype(jnp.int32))
    return jnp.stack([out0, out1], axis=1) + b.astype(jnp.float32)

# --- scband reference (transcript-rebuilt; emitter-appended) ---
"""Pipeline reference for scband-word-avgmodel-7576322310477 (READ-ONLY COPY).

The authoritative reference and input builder live on the scoring server;
editing this copy changes nothing except your own understanding.
"""

import jax, jax.numpy as jnp
import numpy as np

VOCAB = 100000
EMBED = 128
OUT = 2
PAD = 1
SEQ = 200
BATCH = 4096


def setup_inputs(seed: int = 0) -> dict:
    key = jax.random.key(seed)
    k1, k2, k3, k4 = jax.random.split(key, 4)
    text = jax.random.randint(k1, (SEQ, BATCH), 0, VOCAB)
    table = jax.random.normal(k2, (VOCAB, EMBED), dtype=jnp.float32)
    table = table.at[PAD].set(0.0)  # padding_idx row is zero-initialized
    W = jax.random.normal(k3, (OUT, EMBED), dtype=jnp.float32) * 0.05
    b = jax.random.normal(k4, (OUT,), dtype=jnp.float32) * 0.05
    return {"text": text, "table": table, "W": W, "b": b}


def reference(text, table, W, b):
    # embedded = self.embed(text): [SEQ, BATCH, EMBED]
    embedded = jnp.take(table, text, axis=0)
    # permute(1, 0, 2): [BATCH, SEQ, EMBED]
    embedded = jnp.transpose(embedded, (1, 0, 2))
    # avg_pool2d over (SEQ, 1) with stride 1 -> mean over seq dim, squeeze -> [BATCH, EMBED]
    pooled = jnp.mean(embedded, axis=1)
    # linear: [BATCH, OUT]
    return pooled @ W.T + b

if __name__ == "__main__":
    import jax
    _d = setup_inputs()
    print(jax.jit(kernel)(*tuple(_d.values())))

</pallas_src>

<mosaic_0001>
#map = affine_map<(d0, d1) -> (0)>
#map1 = affine_map<(d0, d1) -> (0, 0)>
module attributes {stable_mosaic.version = 14 : i64} {
  func.func @k(%arg0: i32, %arg1: i32, %arg2: memref<100000xi32, #tpu.memory_space<hbm>>, %arg3: memref<200x4096xi32, #tpu.memory_space<hbm>>, %arg4: memref<4096xf32, #tpu.memory_space<hbm>>, %arg5: memref<4096xf32, #tpu.memory_space<hbm>>, %arg6: memref<100000xi32, #tpu.memory_space<vmem>>, %arg7: memref<104x128xi32, #tpu.memory_space<vmem>>, %arg8: memref<128xf32, #tpu.memory_space<vmem>>, %arg9: memref<128xf32, #tpu.memory_space<vmem>>, %arg10: memref<73472xi32, #tpu.memory_space<vmem_shared>>, %arg11: memref<!tpu.dma_semaphore, #tpu.memory_space<semaphore_mem>>, %arg12: memref<!tpu.dma_semaphore, #tpu.memory_space<semaphore_mem>>, %arg13: memref<!tpu.dma_semaphore, #tpu.memory_space<semaphore_mem>>) attributes {dimension_semantics = [#tpu.dimension_semantics<core_parallel>, #tpu.dimension_semantics<subcore_parallel>], iteration_bounds = array<i64: 2, 16>, scalar_prefetch = 0 : i64, scratch_operands = 8 : i64, tpu.core_type = #tpu.core_type<sc_vector_subcore>, window_params = [{transform_indices = #map}, {transform_indices = #map1}, {transform_indices = #map}, {transform_indices = #map}]} {
    %mul3A = arith.constant 2 : i32
    %mul3A_0 = arith.muli %arg1, %mul3A : i32
    %add3A = arith.addi %mul3A_0, %arg0 : i32
    %mul3A_1 = arith.constant 128 : i32
    %mul3A_2 = arith.muli %add3A, %mul3A_1 : i32
    %multiple_of3A = tpu.assume_multiple %mul3A_2, 128 : i32
    %dma_start3A = arith.constant 0 : i32
    %dma_start3A_3 = tpu.memref_slice %arg3[%dma_start3A, %multiple_of3A] : memref<200x4096xi32, #tpu.memory_space<hbm>> -> memref<104x128xi32, #tpu.memory_space<hbm>>
    %dma_start3A_4 = arith.constant 0 : i32
    %dma_start3A_5 = tpu.memref_slice %arg3[%dma_start3A_4, %multiple_of3A] : memref<200x4096xi32, #tpu.memory_space<hbm>> -> memref<104x128xi32, #tpu.memory_space<hbm>>
    tpu.enqueue_dma source(%dma_start3A_5 : memref<104x128xi32, #tpu.memory_space<hbm>>) target(%arg7 : memref<104x128xi32, #tpu.memory_space<vmem>>) target_semaphore(%arg12 : memref<!tpu.dma_semaphore, #tpu.memory_space<semaphore_mem>>)
    %dma_start3A_6 = arith.constant 73472 : i32
    %dma_start3A_7 = tpu.memref_slice %arg6[%dma_start3A_6] : memref<100000xi32, #tpu.memory_space<vmem>> -> memref<26528xi32, #tpu.memory_space<vmem>>
    %dma_start3A_8 = arith.constant 73472 : i32
    %dma_start3A_9 = tpu.memref_slice %arg2[%dma_start3A_8] : memref<100000xi32, #tpu.memory_space<hbm>> -> memref<26528xi32, #tpu.memory_space<hbm>>
    %dma_start3A_10 = arith.constant 73472 : i32
    %dma_start3A_11 = tpu.memref_slice %arg6[%dma_start3A_10] : memref<100000xi32, #tpu.memory_space<vmem>> -> memref<26528xi32, #tpu.memory_space<vmem>>
    %dma_start3A_12 = arith.constant 73472 : i32
    %dma_start3A_13 = tpu.memref_slice %arg2[%dma_start3A_12] : memref<100000xi32, #tpu.memory_space<hbm>> -> memref<26528xi32, #tpu.memory_space<hbm>>
    tpu.enqueue_dma source(%dma_start3A_13 : memref<26528xi32, #tpu.memory_space<hbm>>) target(%dma_start3A_11 : memref<26528xi32, #tpu.memory_space<vmem>>) target_semaphore(%arg13 : memref<!tpu.dma_semaphore, #tpu.memory_space<semaphore_mem>>)
    %eq3A = arith.constant 0 : i32
    %eq3A_14 = arith.cmpi eq, %arg1, %eq3A : i32
    %convert_element_type3A = arith.extui %eq3A_14 : i1 to i32
    %cond3A = arith.constant 0 : i32
    %cond3A_15 = arith.cmpi ne, %convert_element_type3A, %cond3A : i32
    scf.if %cond3A_15 {
      "tpu.region"() ({
        %run_scoped3A = tpu.sem_alloc : memref<!tpu.dma_semaphore, #tpu.memory_space<semaphore_mem>>
        %dma_start3A_69 = arith.constant 0 : i32
        %dma_start3A_70 = tpu.memref_slice %arg2[%dma_start3A_69] : memref<100000xi32, #tpu.memory_space<hbm>> -> memref<73472xi32, #tpu.memory_space<hbm>>
        tpu.enqueue_dma source(%dma_start3A_70 : memref<73472xi32, #tpu.memory_space<hbm>>) target(%arg10 : memref<73472xi32, #tpu.memory_space<vmem_shared>>) target_semaphore(%run_scoped3A : memref<!tpu.dma_semaphore, #tpu.memory_space<semaphore_mem>>)
        %dma_wait3A_71 = arith.constant 0 : i32
        %dma_wait3A_72 = tpu.memref_slice %arg2[%dma_wait3A_71] : memref<100000xi32, #tpu.memory_space<hbm>> -> memref<73472xi32, #tpu.memory_space<hbm>>
        tpu.wait_dma2 semaphore(%run_scoped3A : memref<!tpu.dma_semaphore, #tpu.memory_space<semaphore_mem>>) src(%dma_wait3A_72 : memref<73472xi32, #tpu.memory_space<hbm>>) dst(%arg10 : memref<73472xi32, #tpu.memory_space<vmem_shared>>)
        tpu.yield
      }) : () -> ()
    } else {
    }
    %barrier3A = arith.constant 0 : index
    tpu.barrier barrier_id(%barrier3A)
    %dma_start3A_16 = arith.constant 0 : i32
    %dma_start3A_17 = tpu.memref_slice %arg6[%dma_start3A_16] : memref<100000xi32, #tpu.memory_space<vmem>> -> memref<73472xi32, #tpu.memory_space<vmem>>
    %dma_start3A_18 = arith.constant 0 : i32
    %dma_start3A_19 = tpu.memref_slice %arg6[%dma_start3A_18] : memref<100000xi32, #tpu.memory_space<vmem>> -> memref<73472xi32, #tpu.memory_space<vmem>>
    tpu.enqueue_dma source(%arg10 : memref<73472xi32, #tpu.memory_space<vmem_shared>>) target(%dma_start3A_19 : memref<73472xi32, #tpu.memory_space<vmem>>) target_semaphore(%arg11 : memref<!tpu.dma_semaphore, #tpu.memory_space<semaphore_mem>>)
    %dma_wait3A = arith.constant 0 : i32
    %dma_wait3A_20 = tpu.memref_slice %arg6[%dma_wait3A] : memref<100000xi32, #tpu.memory_space<vmem>> -> memref<73472xi32, #tpu.memory_space<vmem>>
    %dma_wait3A_21 = arith.constant 0 : i32
    %dma_wait3A_22 = tpu.memref_slice %arg6[%dma_wait3A_21] : memref<100000xi32, #tpu.memory_space<vmem>> -> memref<73472xi32, #tpu.memory_space<vmem>>
    tpu.wait_dma2 semaphore(%arg11 : memref<!tpu.dma_semaphore, #tpu.memory_space<semaphore_mem>>) src(%arg10 : memref<73472xi32, #tpu.memory_space<vmem_shared>>) dst(%dma_wait3A_22 : memref<73472xi32, #tpu.memory_space<vmem>>)
    %dma_wait3A_23 = arith.constant 73472 : i32
    %dma_wait3A_24 = tpu.memref_slice %arg6[%dma_wait3A_23] : memref<100000xi32, #tpu.memory_space<vmem>> -> memref<26528xi32, #tpu.memory_space<vmem>>
    %dma_wait3A_25 = arith.constant 73472 : i32
    %dma_wait3A_26 = tpu.memref_slice %arg2[%dma_wait3A_25] : memref<100000xi32, #tpu.memory_space<hbm>> -> memref<26528xi32, #tpu.memory_space<hbm>>
    %dma_wait3A_27 = arith.constant 73472 : i32
    %dma_wait3A_28 = tpu.memref_slice %arg6[%dma_wait3A_27] : memref<100000xi32, #tpu.memory_space<vmem>> -> memref<26528xi32, #tpu.memory_space<vmem>>
    %dma_wait3A_29 = arith.constant 73472 : i32
    %dma_wait3A_30 = tpu.memref_slice %arg2[%dma_wait3A_29] : memref<100000xi32, #tpu.memory_space<hbm>> -> memref<26528xi32, #tpu.memory_space<hbm>>
    tpu.wait_dma2 semaphore(%arg13 : memref<!tpu.dma_semaphore, #tpu.memory_space<semaphore_mem>>) src(%dma_wait3A_30 : memref<26528xi32, #tpu.memory_space<hbm>>) dst(%dma_wait3A_28 : memref<26528xi32, #tpu.memory_space<vmem>>)
    %dma_wait3A_31 = arith.constant 0 : i32
    %dma_wait3A_32 = tpu.memref_slice %arg3[%dma_wait3A_31, %multiple_of3A] : memref<200x4096xi32, #tpu.memory_space<hbm>> -> memref<104x128xi32, #tpu.memory_space<hbm>>
    %dma_wait3A_33 = arith.constant 0 : i32
    %dma_wait3A_34 = tpu.memref_slice %arg3[%dma_wait3A_33, %multiple_of3A] : memref<200x4096xi32, #tpu.memory_space<hbm>> -> memref<104x128xi32, #tpu.memory_space<hbm>>
    tpu.wait_dma2 semaphore(%arg12 : memref<!tpu.dma_semaphore, #tpu.memory_space<semaphore_mem>>) src(%dma_wait3A_34 : memref<104x128xi32, #tpu.memory_space<hbm>>) dst(%arg7 : memref<104x128xi32, #tpu.memory_space<vmem>>)
    %broadcast_in_dim3A = arith.constant 0.000000e+00 : f32
    %broadcast_in_dim3A_35 = vector.broadcast %broadcast_in_dim3A : f32 to vector<16xf32>
    %broadcast_in_dim3A_36 = arith.constant -65536 : i32
    %broadcast_in_dim3A_37 = vector.broadcast %broadcast_in_dim3A_36 : i32 to vector<16xi32>
    %scan3A = arith.constant 0 : i32
    %scan3A_38 = arith.constant 0 : i32
    %scan3A_39 = arith.constant 8 : i32
    %scan3A_40 = arith.addi %scan3A_38, %scan3A_39 : i32
    %scan3A_41 = arith.constant 1 : i32
    scf.for %scan3A_69 = %scan3A_38 to %scan3A_40 step %scan3A_41  : i32 {
      %parallel_loop3A = arith.constant 0 : i32
      %parallel_loop3A_70 = arith.constant 104 : i32
      %parallel_loop3A_71 = arith.constant 1 : i32
      %parallel_loop3A_72:2 = scf.for %parallel_loop3A_80 = %parallel_loop3A to %parallel_loop3A_70 step %parallel_loop3A_71 iter_args(%parallel_loop3A_81 = %broadcast_in_dim3A_35, %parallel_loop3A_82 = %broadcast_in_dim3A_35) -> (vector<16xf32>, vector<16xf32>)  : i32 {
        %parallel_loop3A_83 = arith.constant 16 : i32
        %parallel_loop3A_84 = arith.muli %scan3A_69, %parallel_loop3A_83 : i32
        %parallel_loop3A_85 = arith.index_cast %parallel_loop3A_80 : i32 to index
        %parallel_loop3A_86 = arith.index_cast %parallel_loop3A_84 : i32 to index
        %parallel_loop3A_87 = tpu.vector_load %arg7[%parallel_loop3A_85, %parallel_loop3A_86] {strides = array<i32>} : memref<104x128xi32, #tpu.memory_space<vmem>>, vector<16xi32>,
        %parallel_loop3A_88 = tpu.vector_load_idx %arg6[%parallel_loop3A_87] : memref<100000xi32, #tpu.memory_space<vmem>>[vector<16xi32>], vector<16xi32>,
        %parallel_loop3A_89 = arith.constant 16 : i32
        %parallel_loop3A_90 = vector.broadcast %parallel_loop3A_89 : i32 to vector<16xi32>
        %parallel_loop3A_91 = arith.shli %parallel_loop3A_88, %parallel_loop3A_90 : vector<16xi32>
        %parallel_loop3A_92 = vector.bitcast %parallel_loop3A_91 : vector<16xi32> to vector<16xf32>
        %parallel_loop3A_93 = arith.addf %parallel_loop3A_81, %parallel_loop3A_92 : vector<16xf32>
        %parallel_loop3A_94 = arith.andi %parallel_loop3A_88, %broadcast_in_dim3A_37 : vector<16xi32>
        %parallel_loop3A_95 = vector.bitcast %parallel_loop3A_94 : vector<16xi32> to vector<16xf32>
        %parallel_loop3A_96 = arith.addf %parallel_loop3A_82, %parallel_loop3A_95 : vector<16xf32>
        scf.yield %parallel_loop3A_93, %parallel_loop3A_96 : vector<16xf32>, vector<16xf32>
      } {sc.loop_unroll_factor = 8 : i64, sc.parallel_access}
      %mul3A_73 = arith.constant 16 : i32
      %mul3A_74 = arith.muli %scan3A_69, %mul3A_73 : i32
      %swap3A = arith.index_cast %mul3A_74 : i32 to index
      %swap3A_75 = tpu.vector_load %arg8[%swap3A] {strides = array<i32>} : memref<128xf32, #tpu.memory_space<vmem>>, vector<16xf32>,
      tpu.vector_store %arg8[%swap3A], %parallel_loop3A_72#0 {strides = array<i32>} : memref<128xf32, #tpu.memory_space<vmem>>, vector<16xf32>,
      %mul3A_76 = arith.constant 16 : i32
      %mul3A_77 = arith.muli %scan3A_69, %mul3A_76 : i32
      %swap3A_78 = arith.index_cast %mul3A_77 : i32 to index
      %swap3A_79 = tpu.vector_load %arg9[%swap3A_78] {strides = array<i32>} : memref<128xf32, #tpu.memory_space<vmem>>, vector<16xf32>,
      tpu.vector_store %arg9[%swap3A_78], %parallel_loop3A_72#1 {strides = array<i32>} : memref<128xf32, #tpu.memory_space<vmem>>, vector<16xf32>,
    }
    %scan3A_42 = arith.constant 8 : i32
    %dma_start3A_43 = arith.constant 0 : i32
    %dma_start3A_44 = arith.constant 0 : i32
    %dma_start3A_45 = tpu.memref_slice %arg7[%dma_start3A_43, %dma_start3A_44] : memref<104x128xi32, #tpu.memory_space<vmem>> -> memref<96x128xi32, #tpu.memory_space<vmem>>
    %dma_start3A_46 = arith.constant 104 : i32
    %dma_start3A_47 = tpu.memref_slice %arg3[%dma_start3A_46, %multiple_of3A] : memref<200x4096xi32, #tpu.memory_space<hbm>> -> memref<96x128xi32, #tpu.memory_space<hbm>>
    %dma_start3A_48 = arith.constant 0 : i32
    %dma_start3A_49 = arith.constant 0 : i32
    %dma_start3A_50 = tpu.memref_slice %arg7[%dma_start3A_48, %dma_start3A_49] : memref<104x128xi32, #tpu.memory_space<vmem>> -> memref<96x128xi32, #tpu.memory_space<vmem>>
    %dma_start3A_51 = arith.constant 104 : i32
    %dma_start3A_52 = tpu.memref_slice %arg3[%dma_start3A_51, %multiple_of3A] : memref<200x4096xi32, #tpu.memory_space<hbm>> -> memref<96x128xi32, #tpu.memory_space<hbm>>
    tpu.enqueue_dma source(%dma_start3A_52 : memref<96x128xi32, #tpu.memory_space<hbm>>) target(%dma_start3A_50 : memref<96x128xi32, #tpu.memory_space<vmem>>) target_semaphore(%arg12 : memref<!tpu.dma_semaphore, #tpu.memory_space<semaphore_mem>>)
    %dma_wait3A_53 = arith.constant 0 : i32
    %dma_wait3A_54 = arith.constant 0 : i32
    %dma_wait3A_55 = tpu.memref_slice %arg7[%dma_wait3A_53, %dma_wait3A_54] : memref<104x128xi32, #tpu.memory_space<vmem>> -> memref<96x128xi32, #tpu.memory_space<vmem>>
    %dma_wait3A_56 = arith.constant 104 : i32
    %dma_wait3A_57 = tpu.memref_slice %arg3[%dma_wait3A_56, %multiple_of3A] : memref<200x4096xi32, #tpu.memory_space<hbm>> -> memref<96x128xi32, #tpu.memory_space<hbm>>
    %dma_wait3A_58 = arith.constant 0 : i32
    %dma_wait3A_59 = arith.constant 0 : i32
    %dma_wait3A_60 = tpu.memref_slice %arg7[%dma_wait3A_58, %dma_wait3A_59] : memref<104x128xi32, #tpu.memory_space<vmem>> -> memref<96x128xi32, #tpu.memory_space<vmem>>
    %dma_wait3A_61 = arith.constant 104 : i32
    %dma_wait3A_62 = tpu.memref_slice %arg3[%dma_wait3A_61, %multiple_of3A] : memref<200x4096xi32, #tpu.memory_space<hbm>> -> memref<96x128xi32, #tpu.memory_space<hbm>>
    tpu.wait_dma2 semaphore(%arg12 : memref<!tpu.dma_semaphore, #tpu.memory_space<semaphore_mem>>) src(%dma_wait3A_62 : memref<96x128xi32, #tpu.memory_space<hbm>>) dst(%dma_wait3A_60 : memref<96x128xi32, #tpu.memory_space<vmem>>)
    %scan3A_63 = arith.constant 0 : i32
    %scan3A_64 = arith.constant 0 : i32
    %scan3A_65 = arith.constant 8 : i32
    %scan3A_66 = arith.addi %scan3A_64, %scan3A_65 : i32
    %scan3A_67 = arith.constant 1 : i32
    scf.for %scan3A_69 = %scan3A_64 to %scan3A_66 step %scan3A_67  : i32 {
      %parallel_loop3A = arith.constant 0 : i32
      %parallel_loop3A_70 = arith.constant 96 : i32
      %parallel_loop3A_71 = arith.constant 1 : i32
      %parallel_loop3A_72:2 = scf.for %parallel_loop3A_89 = %parallel_loop3A to %parallel_loop3A_70 step %parallel_loop3A_71 iter_args(%parallel_loop3A_90 = %broadcast_in_dim3A_35, %parallel_loop3A_91 = %broadcast_in_dim3A_35) -> (vector<16xf32>, vector<16xf32>)  : i32 {
        %parallel_loop3A_92 = arith.constant 16 : i32
        %parallel_loop3A_93 = arith.muli %scan3A_69, %parallel_loop3A_92 : i32
        %parallel_loop3A_94 = arith.index_cast %parallel_loop3A_89 : i32 to index
        %parallel_loop3A_95 = arith.index_cast %parallel_loop3A_93 : i32 to index
        %parallel_loop3A_96 = tpu.vector_load %arg7[%parallel_loop3A_94, %parallel_loop3A_95] {strides = array<i32>} : memref<104x128xi32, #tpu.memory_space<vmem>>, vector<16xi32>,
        %parallel_loop3A_97 = tpu.vector_load_idx %arg6[%parallel_loop3A_96] : memref<100000xi32, #tpu.memory_space<vmem>>[vector<16xi32>], vector<16xi32>,
        %parallel_loop3A_98 = arith.constant 16 : i32
        %parallel_loop3A_99 = vector.broadcast %parallel_loop3A_98 : i32 to vector<16xi32>
        %parallel_loop3A_100 = arith.shli %parallel_loop3A_97, %parallel_loop3A_99 : vector<16xi32>
        %parallel_loop3A_101 = vector.bitcast %parallel_loop3A_100 : vector<16xi32> to vector<16xf32>
        %parallel_loop3A_102 = arith.addf %parallel_loop3A_90, %parallel_loop3A_101 : vector<16xf32>
        %parallel_loop3A_103 = arith.andi %parallel_loop3A_97, %broadcast_in_dim3A_37 : vector<16xi32>
        %parallel_loop3A_104 = vector.bitcast %parallel_loop3A_103 : vector<16xi32> to vector<16xf32>
        %parallel_loop3A_105 = arith.addf %parallel_loop3A_91, %parallel_loop3A_104 : vector<16xf32>
        scf.yield %parallel_loop3A_102, %parallel_loop3A_105 : vector<16xf32>, vector<16xf32>
      } {sc.loop_unroll_factor = 8 : i64, sc.parallel_access}
      %mul3A_73 = arith.constant 16 : i32
      %mul3A_74 = arith.muli %scan3A_69, %mul3A_73 : i32
      %get3A = arith.index_cast %mul3A_74 : i32 to index
      %get3A_75 = tpu.vector_load %arg8[%get3A] {strides = array<i32>} : memref<128xf32, #tpu.memory_space<vmem>>, vector<16xf32>,
      %add3A_76 = arith.addf %get3A_75, %parallel_loop3A_72#0 : vector<16xf32>
      %mul3A_77 = arith.constant 16 : i32
      %mul3A_78 = arith.muli %scan3A_69, %mul3A_77 : i32
      %swap3A = arith.index_cast %mul3A_78 : i32 to index
      %swap3A_79 = tpu.vector_load %arg8[%swap3A] {strides = array<i32>} : memref<128xf32, #tpu.memory_space<vmem>>, vector<16xf32>,
      tpu.vector_store %arg8[%swap3A], %add3A_76 {strides = array<i32>} : memref<128xf32, #tpu.memory_space<vmem>>, vector<16xf32>,
      %mul3A_80 = arith.constant 16 : i32
      %mul3A_81 = arith.muli %scan3A_69, %mul3A_80 : i32
      %get3A_82 = arith.index_cast %mul3A_81 : i32 to index
      %get3A_83 = tpu.vector_load %arg9[%get3A_82] {strides = array<i32>} : memref<128xf32, #tpu.memory_space<vmem>>, vector<16xf32>,
      %add3A_84 = arith.addf %get3A_83, %parallel_loop3A_72#1 : vector<16xf32>
      %mul3A_85 = arith.constant 16 : i32
      %mul3A_86 = arith.muli %scan3A_69, %mul3A_85 : i32
      %swap3A_87 = arith.index_cast %mul3A_86 : i32 to index
      %swap3A_88 = tpu.vector_load %arg9[%swap3A_87] {strides = array<i32>} : memref<128xf32, #tpu.memory_space<vmem>>, vector<16xf32>,
      tpu.vector_store %arg9[%swap3A_87], %add3A_84 {strides = array<i32>} : memref<128xf32, #tpu.memory_space<vmem>>, vector<16xf32>,
    }
    %scan3A_68 = arith.constant 8 : i32
    "tpu.region"() ({
      %run_scoped3A = tpu.sem_alloc : memref<!tpu.dma_semaphore, #tpu.memory_space<semaphore_mem>>
      %dma_start3A_69 = tpu.memref_slice %arg4[%multiple_of3A] : memref<4096xf32, #tpu.memory_space<hbm>> -> memref<128xf32, #tpu.memory_space<hbm>>
      %dma_start3A_70 = tpu.memref_slice %arg4[%multiple_of3A] : memref<4096xf32, #tpu.memory_space<hbm>> -> memref<128xf32, #tpu.memory_space<hbm>>
      tpu.enqueue_dma source(%arg8 : memref<128xf32, #tpu.memory_space<vmem>>) target(%dma_start3A_70 : memref<128xf32, #tpu.memory_space<hbm>>) target_semaphore(%run_scoped3A : memref<!tpu.dma_semaphore, #tpu.memory_space<semaphore_mem>>)
      %dma_wait3A_71 = tpu.memref_slice %arg4[%multiple_of3A] : memref<4096xf32, #tpu.memory_space<hbm>> -> memref<128xf32, #tpu.memory_space<hbm>>
      %dma_wait3A_72 = tpu.memref_slice %arg4[%multiple_of3A] : memref<4096xf32, #tpu.memory_space<hbm>> -> memref<128xf32, #tpu.memory_space<hbm>>
      tpu.wait_dma2 semaphore(%run_scoped3A : memref<!tpu.dma_semaphore, #tpu.memory_space<semaphore_mem>>) src(%arg8 : memref<128xf32, #tpu.memory_space<vmem>>) dst(%dma_wait3A_72 : memref<128xf32, #tpu.memory_space<hbm>>)
      tpu.yield
    }) : () -> ()
    "tpu.region"() ({
      %run_scoped3A = tpu.sem_alloc : memref<!tpu.dma_semaphore, #tpu.memory_space<semaphore_mem>>
      %dma_start3A_69 = tpu.memref_slice %arg5[%multiple_of3A] : memref<4096xf32, #tpu.memory_space<hbm>> -> memref<128xf32, #tpu.memory_space<hbm>>
      %dma_start3A_70 = tpu.memref_slice %arg5[%multiple_of3A] : memref<4096xf32, #tpu.memory_space<hbm>> -> memref<128xf32, #tpu.memory_space<hbm>>
      tpu.enqueue_dma source(%arg9 : memref<128xf32, #tpu.memory_space<vmem>>) target(%dma_start3A_70 : memref<128xf32, #tpu.memory_space<hbm>>) target_semaphore(%run_scoped3A : memref<!tpu.dma_semaphore, #tpu.memory_space<semaphore_mem>>)
      %dma_wait3A_71 = tpu.memref_slice %arg5[%multiple_of3A] : memref<4096xf32, #tpu.memory_space<hbm>> -> memref<128xf32, #tpu.memory_space<hbm>>
      %dma_wait3A_72 = tpu.memref_slice %arg5[%multiple_of3A] : memref<4096xf32, #tpu.memory_space<hbm>> -> memref<128xf32, #tpu.memory_space<hbm>>
      tpu.wait_dma2 semaphore(%run_scoped3A : memref<!tpu.dma_semaphore, #tpu.memory_space<semaphore_mem>>) src(%arg9 : memref<128xf32, #tpu.memory_space<vmem>>) dst(%dma_wait3A_72 : memref<128xf32, #tpu.memory_space<hbm>>)
      tpu.yield
    }) : () -> ()
    return
  }
}

module attributes {stable_mosaic.version = 14 : i64} {
  func.func @body(%arg0: i32, %arg1: memref<20480x128xf32, #tpu.memory_space<vmem>>, %arg2: memref<2x128xf32, #tpu.memory_space<vmem>>, %arg3: memref<20480xi32, #tpu.memory_space<vmem>>) attributes {dimension_semantics = [#tpu.dimension_semantics<arbitrary>], iteration_bounds = array<i64: 5>, scalar_prefetch = 0 : i64, scratch_operands = 0 : i64, tpu.core_type = #tpu.core_type<tc>, window_params = [{transform_indices = @transform_0, window_bounds = array<i64: 20480, 128>}, {pipeline_mode = #tpu.pipeline_mode<synchronous>, transform_indices = @transform_1, window_bounds = array<i64: 2, 128>}, {transform_indices = @transform_2, window_bounds = array<i64: 20480>}]} {
    %get3A = arith.constant 0 : index
    %get3A_0 = arith.constant 0 : index
    %get3A_1 = vector.load %arg2[%get3A, %get3A_0] : memref<2x128xf32, #tpu.memory_space<vmem>>, vector<2x128xf32>
    %mul3A = arith.constant 5.000000e-03 : f32
    %mul3A_2 = vector.broadcast %mul3A : f32 to vector<2x128xf32>
    %mul3A_3 = arith.mulf %get3A_1, %mul3A_2 : vector<2x128xf32>
    %convert_element_type3A = arith.truncf %mul3A_3 : vector<2x128xf32> to vector<2x128xbf16>
    %get3A_4 = arith.constant 0 : index
    %get3A_5 = arith.constant 0 : index
    %get3A_6 = vector.load %arg1[%get3A_4, %get3A_5] : memref<20480x128xf32, #tpu.memory_space<vmem>>, vector<20480x128xf32>
    %convert_element_type3A_7 = arith.truncf %get3A_6 : vector<20480x128xf32> to vector<20480x128xbf16>
    %dot_general3A = arith.constant dense<0.000000e+00> : vector<2x20480xf32>
    %dot_general3A_8 = tpu.matmul %convert_element_type3A, %convert_element_type3A_7, %dot_general3A {dimension_numbers = #tpu.dot_dimension_numbers<[1], [1], [0], [0], [0, 0, 1, 0], [], []>, transpose_lhs_hint = false} : vector<2x128xbf16>, vector<20480x128xbf16>, vector<2x20480xf32> -> vector<2x20480xf32>
    %bitcast_convert_type3A = tpu.bitcast %dot_general3A_8 : vector<2x20480xf32> -> vector<2x20480xi32>
    %slice3A = vector.extract_strided_slice %bitcast_convert_type3A {offsets = [0, 0], sizes = [1, 20480], strides = [1, 1]} : vector<2x20480xi32> to vector<1x20480xi32>
    %squeeze3A = vector.shape_cast %slice3A : vector<1x20480xi32> to vector<20480xi32>
    %shift_right_logical3A = arith.constant 16 : i32
    %shift_right_logical3A_9 = vector.broadcast %shift_right_logical3A : i32 to vector<20480xi32>
    %shift_right_logical3A_10 = arith.shrui %squeeze3A, %shift_right_logical3A_9 : vector<20480xi32>
    %slice3A_11 = vector.extract_strided_slice %bitcast_convert_type3A {offsets = [1, 0], sizes = [1, 20480], strides = [1, 1]} : vector<2x20480xi32> to vector<1x20480xi32>
    %squeeze3A_12 = vector.shape_cast %slice3A_11 : vector<1x20480xi32> to vector<20480xi32>
    %and3A = arith.constant -65536 : i32
    %and3A_13 = vector.broadcast %and3A : i32 to vector<20480xi32>
    %and3A_14 = arith.andi %squeeze3A_12, %and3A_13 : vector<20480xi32>
    %or3A = arith.ori %shift_right_logical3A_10, %and3A_14 : vector<20480xi32>
    %bitcast_convert_type3A_15 = tpu.bitcast %or3A : vector<20480xi32> -> vector<20480xi32>
    %swap3A = arith.constant 0 : index
    %swap3A_16 = vector.load %arg3[%swap3A] : memref<20480xi32, #tpu.memory_space<vmem>>, vector<20480xi32>
    tpu.vector_store %arg3[%swap3A], %bitcast_convert_type3A_15 {strides = array<i32>} : memref<20480xi32, #tpu.memory_space<vmem>>, vector<20480xi32>,
    return
  }
  func.func @transform_0(%arg0: i32) -> (i32, i32) {
    %c0_i32 = arith.constant 0 : i32
    %c0_i32_0 = arith.constant 0 : i32
    return %arg0, %c0_i32 : i32, i32
  }
  func.func @transform_1(%arg0: i32) -> (i32, i32) {
    %c0_i32 = arith.constant 0 : i32
    %c0_i32_0 = arith.constant 0 : i32
    %c0_i32_1 = arith.constant 0 : i32
    return %c0_i32, %c0_i32_0 : i32, i32
  }
  func.func @transform_2(%arg0: i32) -> i32 {
    %c0_i32 = arith.constant 0 : i32
    return %arg0 : i32
  }
}

</mosaic_0001>

<sc_bundles>
// kernel: kernel.4.cloned.1.call-start
scs
__scs_entry_jumppad:
0x0: {  	(pc) =	sbr.rel $0x88, $3  }
0x1: {  	(tag) =	ssettag $0x0;
	lr =	simm.s32 $0x1  }
0x2: {  	[smem:$0x3F9D] =	sst lr;
	_ =	strace $0xD0000000  }
0x3: {  	_ = 	snop  }
0x4: {  	_ = 	snop  }
0x5: {  	_ = 	snop  }
0x6: {  	_ = 	snop  }
0x7: {  	_ = 	snop  }
__scs_overlays_trampoline_lowered:
0x8: {  	[smem:$0x3FAC] =	sst s0  }
0x9: {  	[smem:$0x3FAD] =	sst s1  }
0xa: {  	[smem:$0x3FAE] =	sst s2  }
0xb: {  	[smem:$0x3FAF] =	sst s3  }
0xc: {  	[smem:$0x3FB0] =	sst s4  }
0xd: {  	[smem:$0x3FB1] =	sst s5  }
0xe: {  	[smem:$0x3FB2] =	sst s6  }
0xf: {  	[smem:$0x3FB3] =	sst s7  }
0x10: {  	[smem:$0x3FB4] =	sst s8  }
0x11: {  	[smem:$0x3FB5] =	sst s9;
	s0 =	simm.s32 @!p0 $0x0  }
0x12: {  	s1 =	sld [smem:$0x3F9B];
	s0 =	simm.s32 @p0 $0x1  }
0x13: {  	[smem:$0x3FB6] =	sst s0;
	s0 =	simm.s32 @!p1 $0x0  }
0x14: {  	s2 =	sld [smem:$0x3F9A];
	s0 =	simm.s32 @p1 $0x1  }
0x15: {  	[smem:$0x3FB7] =	sst s0;
	s0 =	simm.s32 @!p2 $0x0  }
0x16: {  	s3 =	sld [smem:$0x3FDB];
	s0 =	simm.s32 @p2 $0x1  }
0x17: {  	s4 =	simm.s32 $0x1BF5;
	[smem:$0x3FB9] =	sst s0  }
0x18: {  	s0 =	sld [smem:$0x3F9C];
	_ =	swait.ge [sflag:s4], $0x0  }
0x19: {  	s7 =	sld [smem:$0x3F9D]  }
0x1a: {  	s8 =	sadd.s32 $0xFFFFE003, lr  }
0x1b: {  	s9 =	sadd.s32 $0xFFFFFEF7, lr;
	s5 =	simm.s32 $0xFFFFFFFF;
	p2 =	slt.u32 s8, $0xFFFFF086  }
0x1c: {  	p1 =	slt.u32 s9, $0xF7A;
	s5 =	simm.s32 @!p2 $0x0  }
0x1d: {  	s5 =	simm.s32 @p1 $0x1;
	p0 =	seq.s32 s7, s2  }
0x1e: {  	s7 =	smul.u32 @!p0 $0xF7A, s2;
	p2 =	seq.s32 @!p0 s5, $0x0  }
0x1f: {  	s9 =	smul.u32 $0xF7A, s1;
	s8 =	simm.s32 @!p0 $0x1BF5;
	p2 =	por !p2, p0  }
0x20: {  	[sflag:s8] =	ssyncset.s32 @!p0 $0xFFFFF086;
	s6 =	sadd.s32 @!p0 s3, s7;
	s7 =	simm.s32 @!p0 $0x108  }
0x21: {  	s3 =	sadd.s32 s3, s9;
	s6 =	sadd.s32 @!p0 $0x88, s6;
	s7 =	simm.s32 @p2 $0x1082  }
0x22: {  	[simem:s7], [sflag:s8] =	dma.local @!p0 [hbm:s6], $0xF7A  }
0x23: {  	s9 =	sor.u32 $0xD0000000, s2;
	s6 =	simm.s32 $0x108;
	_ =	swait.ge @!p0 [sflag:s8], $0x0  }
0x24: {  	s3 =	sadd.s32 $0x88, s3;
	s6 =	simm.s32 @!p1 $0x1082;
	[sflag:s4] =	ssyncset.s32 $0xFFFFF086  }
0x25: {  	[simem:s6], [sflag:s4] =	dma.local [hbm:s3], $0xF7A  }
0x26: {  	[smem:$0x3F9D] =	sst s1;
	(tag) =	ssettag s2;
	_ =	strace s9  }
0x27: {  	s1 =	sld [smem:$0x3FAD]  }
0x28: {  	s2 =	sld [smem:$0x3FAE]  }
0x29: {  	s4 =	sld [smem:$0x3FB0]  }
0x2a: {  	p0 =	seq.s32 s5, $0x0;
	s5 =	sld [smem:$0x3FB1]  }
0x2b: {  	s6 =	sld [smem:$0x3FB2]  }
0x2c: {  	s7 =	sld [smem:$0x3FB3]  }
0x2d: {  	s3 =	simm.s32 $0x108;
	s8 =	sld [smem:$0x3FB4]  }
0x2e: {  	s3 =	simm.s32 @!p0 $0x1082;
	s9 =	sld [smem:$0x3FB5]  }
0x2f: {  	lr =	sadd.s32 s0, s3;
	s0 =	sld [smem:$0x3FAC]  }
0x30: {  	s3 =	sld [smem:$0x3FAF]  }
0x31: {  	[smem:$0x3FB8] =	sst s10  }
0x32: {  	s10 =	sld [smem:$0x3FB6];
	_ =	sdelay $0x3  }
0x33: {  	p0 =	seq.s32 s10, $0x1;
	s10 =	sld [smem:$0x3FB8];
	_ =	sdelay $0x3  }
0x34: {  	[smem:$0x3FB8] =	sst s10  }
0x35: {  	s10 =	sld [smem:$0x3FB7];
	_ =	sdelay $0x3  }
0x36: {  	p1 =	seq.s32 s10, $0x1;
	s10 =	sld [smem:$0x3FB8];
	_ =	sdelay $0x3  }
0x37: {  	[smem:$0x3FB8] =	sst s10  }
0x38: {  	s10 =	sld [smem:$0x3FB9]  }
0x39: {  	_ = 	snop;
	(pc) =	sbr.ind lr, $3  }
0x3a: {  	_ = 	snop  }
0x3b: {  	_ = 	snop  }
0x3c: {  	p2 =	seq.s32 s10, $0x1;
	s10 =	sld [smem:$0x3FB8]  }
0x3d: {  	_ =	shalt  }
0x3e: {  	_ =	shalt  }
0x3f: {  	_ =	shalt  }
0x40: {  	_ =	shalt  }
0x41: {  	_ =	shalt  }
0x42: {  	_ =	shalt  }
0x43: {  	_ =	shalt  }
0x44: {  	_ =	shalt  }
0x45: {  	_ =	shalt  }
0x46: {  	_ =	shalt  }
0x47: {  	_ =	shalt  }
0x48: {  	_ =	shalt  }
0x49: {  	_ =	shalt  }
0x4a: {  	_ =	shalt  }
0x4b: {  	_ =	shalt  }
0x4c: {  	_ =	shalt  }
0x4d: {  	_ =	shalt  }
0x4e: {  	_ =	shalt  }
0x4f: {  	_ =	shalt  }
0x50: {  	_ =	shalt  }
0x51: {  	_ =	shalt  }
0x52: {  	_ =	shalt  }
0x53: {  	_ =	shalt  }
0x54: {  	_ =	shalt  }
0x55: {  	_ =	shalt  }
0x56: {  	_ =	shalt  }
0x57: {  	_ =	shalt  }
0x58: {  	_ =	shalt  }
0x59: {  	_ =	shalt  }
0x5a: {  	_ =	shalt  }
0x5b: {  	_ =	shalt  }
0x5c: {  	_ =	shalt  }
0x5d: {  	_ =	shalt  }
0x5e: {  	_ =	shalt  }
0x5f: {  	_ =	shalt  }
0x60: {  	_ =	shalt  }
0x61: {  	_ =	shalt  }
0x62: {  	_ =	shalt  }
0x63: {  	_ =	shalt  }
0x64: {  	_ =	shalt  }
0x65: {  	_ =	shalt  }
0x66: {  	_ =	shalt  }
0x67: {  	_ =	shalt  }
0x68: {  	_ =	shalt  }
0x69: {  	_ =	shalt  }
0x6a: {  	_ =	shalt  }
0x6b: {  	_ =	shalt  }
0x6c: {  	_ =	shalt  }
0x6d: {  	_ =	shalt  }
0x6e: {  	_ =	shalt  }
0x6f: {  	_ =	shalt  }
0x70: {  	_ =	shalt  }
0x71: {  	_ =	shalt  }
0x72: {  	_ =	shalt  }
0x73: {  	_ =	shalt  }
0x74: {  	_ =	shalt  }
0x75: {  	_ =	shalt  }
0x76: {  	_ =	shalt  }
0x77: {  	_ =	shalt  }
0x78: {  	_ =	shalt  }
0x79: {  	_ =	shalt  }
0x7a: {  	_ =	shalt  }
0x7b: {  	_ =	shalt  }
0x7c: {  	_ =	shalt  }
0x7d: {  	_ =	shalt  }
0x7e: {  	_ =	shalt  }
0x7f: {  	_ =	shalt  }
0x80: {  	_ =	shalt  }
0x81: {  	_ =	shalt  }
0x82: {  	_ =	shalt  }
0x83: {  	_ =	shalt  }
0x84: {  	_ =	shalt  }
0x85: {  	_ =	shalt  }
0x86: {  	_ =	shalt  }
0x87: {  	_ =	shalt  }
.Lfunc_end0:
.L_simem_size_0:
called_computation_lowered:
.L_overlay_start_0:
0x88: {  	s2 =	sld [smem:$0x3FD9]  }
0x89: {  	s3 =	sld [smem:$0x3FFE];
	_ =	sdelay $0x1  }
0x8a: {  	s1 =	srdreg.scid  }
0x8b: {  	s0 =	sand.u32 $0x1, s1  }
0x8c: {  	s17 =	sshll.u32 s0, $0xA;
	s2 =	sadd.s32 s3, s2  }
0x8d: {  	s2 =	sadd.s32 s2, s17  }
0x8e: {  	[smem:$0x3FC4] =	sst s2  }
0x8f: {  	_ = 	snop  }
0x90: {  	s2 =	sld [smem:$0x3FC9];
	(tm) =	ssettm $0x1  }
0x91: {  	s18 =	sld [smem:$0x3FFB];
	_ =	sdelay $0x3  }
0x92: {  	_ =	strace s18  }
0x93: {  	s3 =	sld [smem:$0x3FFC];
	_ =	sdelay $0x3  }
0x94: {  	_ =	strace s3  }
0x95: {  	s3 =	sld [smem:$0x3FFD];
	_ =	sdelay $0x3  }
0x96: {  	_ =	strace s3  }
0x97: {  	_ =	strace $0x8FFFFFFF  }
0x98: {  	s19 =	sld [smem:$0x3FDB];
	_ =	sdelay $0x1  }
0x99: {  	s4 =	simm.s32 $_scs_section_size  }
0x9a: {  	s5 =	simm.s32 $_size__tile_overlayer_lowered;
	s6 =	simm.s32 $_tile_overlayer_lowered  }
0x9b: {  	s22 =	simm.s32 $0x1BFF;
	s21 =	sshll.u32 s6, $0x1;
	s3 =	sadd.s32 s4, s19  }
0x9c: {  	s7 =	simm.s32 $0x0;
	s20 =	sshll.u32 s5, $0x1;
	s5 =	sadd.s32 s21, s3  }
0x9d: {  	[timem:s7], [sflag:s22] =	dma.local [hbm:s5], s20  }
0x9e: {  	_ =	swait.ge [sflag:s22], s20  }
0x9f: {  	s4 =	ssub.s32 $0x0, s20;
	[sflag:s22] =	ssyncset.done $0x0  }
0xa0: {  	[sflag:s22] =	ssyncadd.s32 s4;
	_ =	sdelay $0x1  }
0xa1: {  	s23 =	simm.s32 $0x1B8B  }
0xa2: {  	_ =	swait.ge [sflag:s23], $0x1  }
0xa3: {  	[sflag:s23] =	ssyncset.done $0x0  }
0xa4: {  	s25 =	simm.s32 $0x1B8E;
	s24 =	sld [smem:$0x3FFE];
	[sflag:s23] =	ssyncadd.s32 $0xFFFFFFFF  }
0xa5: {  	s26 =	simm.s32 $execute0_lowered;
	[smem:$0x3FD2] =	sst s25  }
0xa6: {  	s5 =	sshll.u32 s26, $0x1;
	_ =	strace $0x80000046;
	[dreg:$0x1] =	wrdreg $0xFFFFFFFF  }
0xa7: {  	s28 =	simm.s32 $_size_execute0_lowered;
	s3 =	sadd.s32 s3, s5;
	[dreg:$0x0] =	wrdreg $0x0  }
0xa8: {  	s5 =	sshll.u32 s28, $0x1;
	[dreg:$0x2] =	wrdreg s3  }
0xa9: {  	[dreg:$0x3] =	wrdreg s5  }
0xaa: {  	[dreg:$0x4] =	wrdreg $0xC0  }
0xab: {  	_ =	task [dreg:s7], $0x5FFFF  }
0xac: {  	[dreg:$0x1] =	wrdreg $0xFFFFFFFF  }
0xad: {  	[dreg:$0x0] =	wrdreg $0x60  }
0xae: {  	[dreg:$0x2] =	wrdreg s24  }
0xaf: {  	[dreg:$0x3] =	wrdreg s2  }
0xb0: {  	[dreg:$0x4] =	wrdreg $0x1BC000  }
0xb1: {  	[dreg:$0x5] =	wrdreg $0x9  }
0xb2: {  	_ =	task.clear_ibuf [dreg:s7], $0x6FFFF;
	_ =	strace $0x90000046  }
0xb3: {  	s29 =	simm.s32 $0x9;
	_ =	strace $0x80000048  }
0xb4: {  	_ =	swait.ge [sflag:s29], $0x1  }
0xb5: {  	[sflag:s29] =	ssyncadd.s32 $0xFFFFFFFF  }
0xb6: {  	_ =	strace $0x90000048  }
0xb7: {  	_ =	sfence  }
0xb8: {  	s30 =	sld [smem:$0x0];
	_ =	sdelay $0x2  }
0xb9: {  	s31 =	sshll.u32 s1, $0xD;
	s1 =	sshrl.u32 s1, $0x2  }
0xba: {  	s3 =	sand.u32 $0x4000, s31;
	s1 =	sadd.s32 s1, s30  }
0xbb: {  	s0 =	sor.u32 s3, s0;
	s1 =	sshll.u32 s1, $0x11  }
0xbc: {  	s0 =	sor.u32 s1, s0  }
0xbd: {  	s0 =	sadd.s32 $0x8F2B, s0  }
0xbe: {  	[sflag:s0] =	ssyncadd.remote.s32 $0x1  }
0xbf: {  	_ =	sfence.sel $0xFFFF  }
0xc0: {  	[dreg:$0x0] =	wrdreg $0xFFFFFFFF;
	(pc) =	sbr.abs _section_cstart, $3  }
0xc1: {  	[dreg:$0x1] =	wrdreg $0xFFFFFFFF  }
0xc2: {  	_ =	task.clear_ibuf [dreg:s7], $0x2FFFF;
	_ =	strace $0x9FFFFFFF  }
0xc3: {  	(tm) =	ssettm $0x7FFFFFFF  }
tec
execute0_lowered:
.L_overlay_start_1:
0x0: {  	(tag) =	ssettag $0x1  }
0x1: {  	s5 =	rddreg [dreg:$0x0]  }
0x2: {  	s4 =	rddreg [dreg:$0x1]  }
0x3: {  	s1 =	rddreg [dreg:$0x2]  }
0x4: {  	s0 =	rddreg [dreg:$0x3];
	s2 =	simm.s32 $0x0  }
0x5: {  	s3 =	srdreg.scid;
	s10 =	stileid.u32;
	s11 =	simm.s32 $0x8000  }
0x6: {  	s12 =	simm.s32 $0x18700;
	s13 =	simm.s32 $0x11F00;
	s15 =	simm.s32 $0x1  }
0x7: {  	s16 =	simm.s32 $0x3;
	s17 =	simm.s32 $0x2;
	s18 =	simm.s32 $0x1BB00  }
0x8: {  	s19 =	simm.s32 $0x4;
	s20 =	simm.s32 $0x1BB80;
	s21 =	simm.s32 $0x0  }
0x9: {  	[smem:$0x7FF] =	sst s2;
	s6 =	sand.u32 $0x1, s3;
	s7 =	sshll.u32 s10, $0x1  }
0xa: {  	s3 =	sadd.s32 $0xE00, s5;
	p0 =	sne.s32 s10, $0x0;
	s10 =	simm.s32 $0x400  }
0xb: {  	_ =	strace $0x80000047;
	s7 =	sor.u32 s6, s7;
	s6 =	ssub.s32 $0x2, s6  }
0xc: {  	s14 =	sshrl.u32 @!p0 s1, $0x3;
	s8 =	sshll.u32 s7, $0x4;
	s7 =	sshll.u32 s7, $0x7  }
0xd: {  	s9 =	sshrl.u32 s6, $0x1;
	s8 =	sadd.s32 s8, s5;
	s4 =	sadd.s32 s4, s7  }
0xe: {  	s9 =	ssub.s32 s6, s9;
	s5 =	sadd.s32 $0x31E0, s5;
	s6 =	sadd.s32 $0xD000, s4  }
0xf: {  	s7 =	sadd.s32 $0x4000, s8;
	s8 =	sadd.s32 $0x4200, s8;
	s9 =	smax.u32 s9, $0x1  }
.LBB2_1:
0x10: {  	[tilespmem:s12], [sflag:$0x2] =	stream.strided.gather [hbm4b:s4+s10], $0x3400, s11, s10, $0x38;
	[tilespmem:$0x1CDF0] =	vst v63  }
0x11: {  	s22 =	simm.s32 @!p0 $0x1C04  }
0x12: {  	[tilespmem:s13], [sflag:$0x3] =	stream.linear.gather [hbm4b:s5+s2], $0x67A0, $0x38;
	[tilespmem:$0x1CDF0] =	vst v63  }
0x13: {  	[spmem:s14], [sflag:s22] =	dma.local @!p0 [hbm:s3], $0x23E0  }
0x14: {  	s22 =	simm.s32 @!p0 $0x4  }
0x15: {  	_ =	swait.ge @!p0 [sflag:s22], $0x23E0  }
0x16: {  	[sflag:s22] =	ssyncset.done @!p0 $0x0  }
0x17: {  	[sflag:s22] =	ssyncadd.s32 @!p0 $0xFFFFDC20  }
0x18: {  	[bflag:$0x0] =	sbarrier.arrive $0xFFFF  }
0x19: {  	[tilespmem:s2], [sflag:$0x1] =	stream.linear.gather [spmem:s1], $0x11F00, $0x38;
	[tilespmem:$0x1CDF0] =	vst v63  }
0x1a: {  	_ =	swait.ge [sflag:s15], $0x11F00  }
0x1b: {  	[sflag:s15] =	ssyncset.done $0x0  }
0x1c: {  	[sflag:s15] =	ssyncadd.s32 $0xFFFEE100  }
0x1d: {  	_ =	swait.ge [sflag:s16], $0x67A0  }
0x1e: {  	[sflag:s16] =	ssyncset.done $0x0  }
0x1f: {  	[sflag:s16] =	ssyncadd.s32 $0xFFFF9860  }
0x20: {  	_ =	swait.ge [sflag:s17], $0x3400  }
0x21: {  	[sflag:s17] =	ssyncset.done $0x0  }
0x22: {  	s23 =	simm.s32 $0x0;
	s22 =	simm.s32 $0x18900;
	[sflag:s17] =	ssyncadd.s32 $0xFFFFCC00  }
.LBB2_2:
0x23: {  	v0 =	vld [tilespmem:s22+$0xFFFFFE00]  }
0x24: {  	v1 =	vld [tilespmem:s22+$0xFFFFFE80];
	_ =	sdelay $0x1  }
0x25: {  	v4 =	vld [tilespmem:s22+$0xFFFFFF00];
	_ =	sdelay $0x1  }
0x26: {  	v6 =	vld [tilespmem:s22+$0xFFFFFF80]  }
0x27: {  	v3 =	vld [tilespmem:s22+$0x0]  }
0x28: {  	v2 =	vld [tilespmem:s22+$0x80]  }
0x29: {  	v9 =	vld.idx.msk [tilespmem:v0+s2+$0x0], $0xffff  }
0x2a: {  	v5 =	vld.idx.msk [tilespmem:v1+s2+$0x0], $0xffff  }
0x2b: {  	v1 =	vld [tilespmem:s22+$0x100]  }
0x2c: {  	v4 =	vld.idx.msk [tilespmem:v4+s2+$0x0], $0xffff  }
0x2d: {  	v7 =	vimm.f32 $0.0e+00;
	v0 =	vld [tilespmem:s22+$0x180]  }
0x2e: {  	s24 =	sshll.u32 s23, $0x4;
	s25 =	simm.s32 $0x0;
	s26 =	sadd.s32 $0x400, s22;
	v6 =	vld.idx.msk [tilespmem:v6+s2+$0x0], $0xffff;
	v8 =	vshll.u32 v9, $0x10;
	v10 =	vand.u32 $0xFFFF0000, v9;
	v9 =	vimm.f32 $0.0e+00  }
.LBB2_3:
0x2f: {  	v11 =	vld [tilespmem:s26+$0xFFFFFE00];
	v7 =	vadd.f32 v8, v7;
	v8 =	vadd.f32 v10, v9  }
0x30: {  	s25 =	sadd.s32 $0x8, s25;
	v9 =	vshll.u32 v5, $0x10;
	v5 =	vand.u32 $0xFFFF0000, v5;
	v3 =	vld.idx.msk [tilespmem:v3+s2+$0x0], $0xffff  }
0x31: {  	p1 =	slt.u32 s25, $0x60;
	v10 =	vld [tilespmem:s26+$0xFFFFFE80];
	v7 =	vadd.f32 v9, v7;
	v5 =	vadd.f32 v5, v8  }
0x32: {  	v8 =	vshll.u32 v4, $0x10;
	v4 =	vand.u32 $0xFFFF0000, v4;
	v2 =	vld.idx.msk [tilespmem:v2+s2+$0x0], $0xffff  }
0x33: {  	v9 =	vld [tilespmem:s26+$0xFFFFFF00];
	v7 =	vadd.f32 v8, v7;
	v4 =	vadd.f32 v4, v5  }
0x34: {  	v5 =	vshll.u32 v6, $0x10;
	v6 =	vand.u32 $0xFFFF0000, v6;
	v1 =	vld.idx.msk [tilespmem:v1+s2+$0x0], $0xffff  }
0x35: {  	v12 =	vld [tilespmem:s26+$0xFFFFFF80];
	v5 =	vadd.f32 v5, v7;
	v4 =	vadd.f32 v6, v4  }
0x36: {  	v6 =	vshll.u32 v3, $0x10;
	v7 =	vand.u32 $0xFFFF0000, v3;
	v0 =	vld.idx.msk [tilespmem:v0+s2+$0x0], $0xffff  }
0x37: {  	v3 =	vld [tilespmem:s26+$0x0];
	v5 =	vadd.f32 v6, v5;
	v4 =	vadd.f32 v7, v4  }
0x38: {  	v7 =	vshll.u32 v2, $0x10;
	v8 =	vand.u32 $0xFFFF0000, v2;
	v6 =	vld.idx.msk [tilespmem:v11+s2+$0x0], $0xffff  }
0x39: {  	v2 =	vld [tilespmem:s26+$0x80];
	v7 =	vadd.f32 v7, v5;
	v4 =	vadd.f32 v8, v4  }
.Ltmp0:
0x3a: {  	v8 =	vshll.u32 v1, $0x10;
	v5 =	vld.idx.msk [tilespmem:v10+s2+$0x0], $0xffff;
	v10 =	vand.u32 $0xFFFF0000, v1;
	(pc) =	sbr.rel @p1 .LBB2_3-.Ltmp0, $4  }
0x3b: {  	v1 =	vld [tilespmem:s26+$0x100];
	v7 =	vadd.f32 v8, v7;
	v8 =	vadd.f32 v10, v4  }
0x3c: {  	v10 =	vand.u32 $0xFFFF0000, v0;
	v4 =	vld.idx.msk [tilespmem:v9+s2+$0x0], $0xffff;
	v9 =	vshll.u32 v0, $0x10  }
0x3d: {  	v0 =	vld [tilespmem:s26+$0x180];
	v7 =	vadd.f32 v9, v7;
	v9 =	vadd.f32 v10, v8  }
0x3e: {  	v8 =	vshll.u32 v6, $0x10;
	v10 =	vand.u32 $0xFFFF0000, v6;
	s26 =	sadd.s32 $0x400, s26;
	v6 =	vld.idx.msk [tilespmem:v12+s2+$0x0], $0xffff  }
0x3f: {  	_ =	sdelay $0x1  }
0x40: {  	v7 =	vadd.f32 v8, v7  }
0x41: {  	v53 =	vadd.f32 v10, v9;
	v54 =	vshll.u32 v5, $0x10  }
0x42: {  	v55 =	vand.u32 $0xFFFF0000, v5;
	v3 =	vld.idx.msk [tilespmem:v3+s2+$0x0], $0xffff;
	v7 =	vadd.f32 v54, v7  }
0x43: {  	v5 =	vadd.f32 v55, v53;
	v56 =	vshll.u32 v4, $0x10  }
0x44: {  	v2 =	vld.idx.msk [tilespmem:v2+s2+$0x0], $0xffff;
	v57 =	vand.u32 $0xFFFF0000, v4;
	v7 =	vadd.f32 v56, v7  }
0x45: {  	v4 =	vadd.f32 v57, v5;
	v58 =	vshll.u32 v6, $0x10  }
0x46: {  	v1 =	vld.idx.msk [tilespmem:v1+s2+$0x0], $0xffff;
	v59 =	vand.u32 $0xFFFF0000, v6;
	v5 =	vadd.f32 v58, v7  }
0x47: {  	v60 =	vshll.u32 v3, $0x10;
	v4 =	vadd.f32 v59, v4  }
0x48: {  	v0 =	vld.idx.msk [tilespmem:v0+s2+$0x0], $0xffff;
	v3 =	vand.u32 $0xFFFF0000, v3;
	v5 =	vadd.f32 v60, v5  }
0x49: {  	v61 =	vshll.u32 v2, $0x10;
	v3 =	vadd.f32 v3, v4  }
0x4a: {  	v2 =	vand.u32 $0xFFFF0000, v2;
	v4 =	vadd.f32 v61, v5  }
0x4b: {  	s23 =	sadd.s32 $0x1, s23;
	v62 =	vshll.u32 v1, $0x10;
	v2 =	vadd.f32 v2, v3  }
0x4c: {  	p1 =	sne.s32 s23, $0x8;
	v1 =	vand.u32 $0xFFFF0000, v1;
	v3 =	vadd.f32 v62, v4  }
.Ltmp1:
0x4d: {  	v63 =	vshll.u32 v0, $0x10;
	v1 =	vadd.f32 v1, v2;
	(pc) =	sbr.rel @p1 .LBB2_2-.Ltmp1, $4  }
0x4e: {  	v0 =	vand.u32 $0xFFFF0000, v0;
	v2 =	vadd.f32 v63, v3  }
0x4f: {  	v0 =	vadd.f32 v0, v1  }
0x50: {  	[tilespmem:s24+$0x1BB00] =	vst v2  }
0x51: {  	s22 =	sadd.s32 $0x10, s22;
	[tilespmem:s24+$0x1BB80] =	vst v0  }
0x52: {  	[tilespmem:s12], [sflag:$0x2] =	stream.strided.gather [hbm4b:s6+s10], $0x3000, s11, s10, $0x38;
	[tilespmem:$0x1CDF0] =	vst v63  }
0x53: {  	_ =	swait.ge [sflag:s17], $0x3000  }
0x54: {  	[sflag:s17] =	ssyncset.done $0x0  }
0x55: {  	s22 =	simm.s32 $0x0;
	s23 =	simm.s32 $0x18900;
	[sflag:s17] =	ssyncadd.s32 $0xFFFFD000  }
.LBB2_6:
0x56: {  	v0 =	vld [tilespmem:s23+$0xFFFFFE00]  }
0x57: {  	v1 =	vld [tilespmem:s23+$0xFFFFFE80];
	_ =	sdelay $0x1  }
0x58: {  	v4 =	vld [tilespmem:s23+$0xFFFFFF00];
	_ =	sdelay $0x1  }
0x59: {  	v6 =	vld [tilespmem:s23+$0xFFFFFF80]  }
0x5a: {  	v3 =	vld [tilespmem:s23+$0x0]  }
0x5b: {  	v2 =	vld [tilespmem:s23+$0x80]  }
0x5c: {  	v9 =	vld.idx.msk [tilespmem:v0+s2+$0x0], $0xffff  }
0x5d: {  	v5 =	vld.idx.msk [tilespmem:v1+s2+$0x0], $0xffff  }
0x5e: {  	v1 =	vld [tilespmem:s23+$0x100]  }
0x5f: {  	v4 =	vld.idx.msk [tilespmem:v4+s2+$0x0], $0xffff  }
0x60: {  	v7 =	vimm.f32 $0.0e+00;
	v0 =	vld [tilespmem:s23+$0x180]  }
0x61: {  	s24 =	sshll.u32 s22, $0x4;
	s25 =	simm.s32 $0x0;
	s26 =	sadd.s32 $0x400, s23;
	v6 =	vld.idx.msk [tilespmem:v6+s2+$0x0], $0xffff;
	v8 =	vshll.u32 v9, $0x10;
	v10 =	vand.u32 $0xFFFF0000, v9;
	v9 =	vimm.f32 $0.0e+00  }
.LBB2_7:
0x62: {  	v11 =	vld [tilespmem:s26+$0xFFFFFE00];
	v7 =	vadd.f32 v8, v7;
	v8 =	vadd.f32 v10, v9  }
0x63: {  	s25 =	sadd.s32 $0x8, s25;
	v9 =	vshll.u32 v5, $0x10;
	v5 =	vand.u32 $0xFFFF0000, v5;
	v3 =	vld.idx.msk [tilespmem:v3+s2+$0x0], $0xffff  }
0x64: {  	p1 =	slt.u32 s25, $0x58;
	v10 =	vld [tilespmem:s26+$0xFFFFFE80];
	v7 =	vadd.f32 v9, v7;
	v5 =	vadd.f32 v5, v8  }
0x65: {  	v8 =	vshll.u32 v4, $0x10;
	v4 =	vand.u32 $0xFFFF0000, v4;
	v2 =	vld.idx.msk [tilespmem:v2+s2+$0x0], $0xffff  }
0x66: {  	v9 =	vld [tilespmem:s26+$0xFFFFFF00];
	v7 =	vadd.f32 v8, v7;
	v4 =	vadd.f32 v4, v5  }
0x67: {  	v5 =	vshll.u32 v6, $0x10;
	v6 =	vand.u32 $0xFFFF0000, v6;
	v1 =	vld.idx.msk [tilespmem:v1+s2+$0x0], $0xffff  }
0x68: {  	v12 =	vld [tilespmem:s26+$0xFFFFFF80];
	v5 =	vadd.f32 v5, v7;
	v4 =	vadd.f32 v6, v4  }
0x69: {  	v6 =	vshll.u32 v3, $0x10;
	v7 =	vand.u32 $0xFFFF0000, v3;
	v0 =	vld.idx.msk [tilespmem:v0+s2+$0x0], $0xffff  }
0x6a: {  	v3 =	vld [tilespmem:s26+$0x0];
	v5 =	vadd.f32 v6, v5;
	v4 =	vadd.f32 v7, v4  }
0x6b: {  	v7 =	vshll.u32 v2, $0x10;
	v8 =	vand.u32 $0xFFFF0000, v2;
	v6 =	vld.idx.msk [tilespmem:v11+s2+$0x0], $0xffff  }
0x6c: {  	v2 =	vld [tilespmem:s26+$0x80];
	v7 =	vadd.f32 v7, v5;
	v4 =	vadd.f32 v8, v4  }
.Ltmp2:
0x6d: {  	v8 =	vshll.u32 v1, $0x10;
	v5 =	vld.idx.msk [tilespmem:v10+s2+$0x0], $0xffff;
	v10 =	vand.u32 $0xFFFF0000, v1;
	(pc) =	sbr.rel @p1 .LBB2_7-.Ltmp2, $4  }
0x6e: {  	v1 =	vld [tilespmem:s26+$0x100];
	v7 =	vadd.f32 v8, v7;
	v8 =	vadd.f32 v10, v4  }
0x6f: {  	v10 =	vand.u32 $0xFFFF0000, v0;
	v4 =	vld.idx.msk [tilespmem:v9+s2+$0x0], $0xffff;
	v9 =	vshll.u32 v0, $0x10  }
0x70: {  	v0 =	vld [tilespmem:s26+$0x180];
	v7 =	vadd.f32 v9, v7;
	v9 =	vadd.f32 v10, v8  }
0x71: {  	v8 =	vshll.u32 v6, $0x10;
	v10 =	vand.u32 $0xFFFF0000, v6;
	s26 =	sadd.s32 $0x400, s26;
	v6 =	vld.idx.msk [tilespmem:v12+s2+$0x0], $0xffff  }
0x72: {  	_ =	sdelay $0x1  }
0x73: {  	v7 =	vadd.f32 v8, v7  }
0x74: {  	v50 =	vadd.f32 v10, v9;
	v51 =	vshll.u32 v5, $0x10  }
0x75: {  	v52 =	vand.u32 $0xFFFF0000, v5;
	v3 =	vld.idx.msk [tilespmem:v3+s2+$0x0], $0xffff;
	v7 =	vadd.f32 v51, v7  }
0x76: {  	v5 =	vadd.f32 v52, v50;
	v53 =	vshll.u32 v4, $0x10  }
0x77: {  	v2 =	vld.idx.msk [tilespmem:v2+s2+$0x0], $0xffff;
	v54 =	vand.u32 $0xFFFF0000, v4;
	v7 =	vadd.f32 v53, v7  }
0x78: {  	v4 =	vadd.f32 v54, v5;
	v55 =	vshll.u32 v6, $0x10  }
0x79: {  	v1 =	vld.idx.msk [tilespmem:v1+s2+$0x0], $0xffff;
	v56 =	vand.u32 $0xFFFF0000, v6;
	v5 =	vadd.f32 v55, v7  }
0x7a: {  	v57 =	vshll.u32 v3, $0x10;
	v4 =	vadd.f32 v56, v4  }
0x7b: {  	v0 =	vld.idx.msk [tilespmem:v0+s2+$0x0], $0xffff;
	v3 =	vand.u32 $0xFFFF0000, v3;
	v5 =	vadd.f32 v57, v5  }
0x7c: {  	v58 =	vshll.u32 v2, $0x10;
	v3 =	vadd.f32 v3, v4  }
0x7d: {  	v2 =	vand.u32 $0xFFFF0000, v2;
	v4 =	vadd.f32 v58, v5  }
0x7e: {  	v60 =	vld [tilespmem:s24+$0x1BB00];
	v59 =	vshll.u32 v1, $0x10;
	v2 =	vadd.f32 v2, v3  }
0x7f: {  	v61 =	vld [tilespmem:s24+$0x1BB80];
	v1 =	vand.u32 $0xFFFF0000, v1;
	v3 =	vadd.f32 v59, v4  }
0x80: {  	s22 =	sadd.s32 $0x1, s22;
	v62 =	vshll.u32 v0, $0x10;
	v1 =	vadd.f32 v1, v2  }
0x81: {  	p1 =	sne.s32 s22, $0x8;
	v0 =	vand.u32 $0xFFFF0000, v0;
	v2 =	vadd.f32 v62, v3  }
.Ltmp3:
0x82: {  	v0 =	vadd.f32 v0, v1;
	(pc) =	sbr.rel @p1 .LBB2_6-.Ltmp3, $4  }
0x83: {  	v63 =	vadd.f32 v60, v2  }
0x84: {  	v0 =	vadd.f32 v61, v0  }
0x85: {  	[tilespmem:s24+$0x1BB00] =	vst v63  }
0x86: {  	s23 =	sadd.s32 $0x10, s23;
	[tilespmem:s24+$0x1BB80] =	vst v0  }
0x87: {  	[hbm4b:s7+s2] =	stream.linear.scatter [tilespmem:s18], [sflag:$0x4], $0x80, $0x38;
	[tilespmem:$0x1CDF0] =	vst v63  }
0x88: {  	s21 =	sadd.s32 $0x1, s21;
	_ =	swait.ge [sflag:s19], $0x80  }
0x89: {  	p1 =	sne.s32 s21, s9;
	[sflag:s19] =	ssyncset.done $0x0  }
.Ltmp4:
0x8a: {  	[sflag:s19] =	ssyncadd.s32 $0xFFFFFF80;
	(pc) =	sbr.rel @p1 .LBB2_1-.Ltmp4, $4  }
0x8b: {  	[hbm4b:s8+s2] =	stream.linear.scatter [tilespmem:s20], [sflag:$0x4], $0x80, $0x38;
	[tilespmem:$0x1CDF0] =	vst v63  }
0x8c: {  	_ =	swait.ge [sflag:s19], $0x80  }
0x8d: {  	[sflag:s19] =	ssyncset.done $0x0  }
0x8e: {  	[sflag:s19] =	ssyncadd.s32 $0xFFFFFF80  }
0x8f: {  	_ =	sfence.sel $0x180000  }
0x90: {  	[bflag:$0x0] =	sbarrier.arrive $0xFFFF  }
0x91: {  	_ =	strace $0x90000047  }
0x92: {  	s0 =	sadd.s32 @!p0 $0x100000, s0;
	[bflag:$0x2] =	sbarrier.arrive $0xFFFF  }
0x93: {  	[sflag:s0] =	ssyncadd.tile.s32 @!p0 $0x1;
	_ =	shalt  }
.Lfunc_end2:
_tile_overlayer_lowered:
.L_overlay_start_2:
0x94: {  	(tag) =	ssettag $0x2  }
0x95: {  	s0 =	rddreg [dreg:$0x0];
	s2 =	stileid.u32  }
0x96: {  	s1 =	rddreg [dreg:$0x1];
	p0 =	sne.s32 s2, $0x0  }
0x97: {  	s3 =	rddreg [dreg:$0x2];
	[bflag:$0x3] =	sbarrier.arrive $0xFFFF;
	s2 =	simm.s32 @!p0 $0x1C04  }
0x98: {  	[timem:s3], [sflag:s2] =	dma.local @!p0 [hbm:s0], s1  }
0x99: {  	s0 =	simm.s32 @!p0 $0x4  }
0x9a: {  	_ =	swait.ge @!p0 [sflag:s0], s1  }
0x9b: {  	s1 =	ssub.s32 @!p0 $0x0, s1;
	[sflag:s0] =	ssyncset.done @!p0 $0x0  }
0x9c: {  	[sflag:s0] =	ssyncadd.s32 @!p0 s1  }
0x9d: {  	[bflag:$0x3] =	sbarrier.arrive $0xFFFF  }
0x9e: {  	_ =	shalt  }

</sc_bundles>
